<compile_context>
chip_gen: v7x
topology: tpu7x:2x2x1
jax: 0.10.2.dev20260603
libtpu: 0.0.44.dev20260713+nightly
codegen_flags: <defaults>
</compile_context>

<pallas_src>
import functools

import jax
import jax.numpy as jnp
from jax import lax
from jax.experimental import pallas as pl
from jax.experimental.pallas import tpu as pltpu
from jax.experimental.pallas import tpu_sc as plsc

_NUM_WORKERS = 32
_NBUF = 4


def _emb_kernel(n_chunks, per_w,
                tok_hbm, table_hbm, out_hbm, idx_v, rows_v, gsem, wsem):
    wid = lax.axis_index("s") * 2 + lax.axis_index("c")
    b0 = wid * per_w
    pltpu.sync_copy(tok_hbm.at[:, pl.ds(b0, per_w)], idx_v)

    def gather(j, p):
        return pltpu.make_async_copy(
            table_hbm.at[idx_v.at[j]], rows_v.at[p], gsem)

    def wback(j, p):
        return pltpu.make_async_copy(
            rows_v.at[p], out_hbm.at[j, pl.ds(b0, per_w)], wsem)

    depth = _NBUF - 1

    for k in range(depth):
        gather(k, k).start()

    gather(0, 0).wait()
    wback(0, 0).start()
    gather(depth, depth).start()

    def body(j, carry):
        p = lax.rem(j, _NBUF)
        pm1 = lax.rem(j + (_NBUF - 1), _NBUF)
        gather(j, p).wait()
        wback(j, p).start()
        wback(j - 1, pm1).wait()
        gather(j + depth, pm1).start()
        return carry

    lax.fori_loop(1, n_chunks - depth, body, 0)

    for j in range(n_chunks - depth, n_chunks):
        gather(j, j % _NBUF).wait()
        wback(j, j % _NBUF).start()
        wback(j - 1, (j - 1) % _NBUF).wait()
    wback(n_chunks - 1, (n_chunks - 1) % _NBUF).wait()


def kernel(tokens, table):
    b, s = tokens.shape
    v, d = table.shape
    assert b % _NUM_WORKERS == 0
    per_w = b // _NUM_WORKERS

    tok_t = tokens.astype(jnp.int32).T

    mesh = plsc.VectorSubcoreMesh(core_axis_name="c", subcore_axis_name="s")
    run = functools.partial(
        pl.kernel,
        mesh=mesh,
        out_type=jax.ShapeDtypeStruct((s, b, d), jnp.float32),
        scratch_types=[
            pltpu.VMEM((s, per_w), jnp.int32),
            pltpu.VMEM((_NBUF, per_w, d), jnp.float32),
            pltpu.SemaphoreType.DMA,
            pltpu.SemaphoreType.DMA,
        ],
    )(functools.partial(_emb_kernel, s, per_w))
    out3 = run(tok_t, table)
    return jnp.transpose(out3, (1, 0, 2))

# --- scband reference (transcript-rebuilt; emitter-appended) ---
"""Pipeline reference for scband-conditioner-onnxwrapper-5257039970489 (READ-ONLY COPY).

The authoritative reference and input builder live on the scoring server;
editing this copy changes nothing except your own understanding.
"""

import jax, jax.numpy as jnp
import numpy as np

NUM_EMBEDDINGS = 100000
EMBED_DIM = 128


def setup_inputs(seed: int = 0) -> dict:
    key = jax.random.key(seed)
    k_tok, k_tab = jax.random.split(key)
    tokens = jax.random.randint(k_tok, (4096, 50), 0, NUM_EMBEDDINGS, dtype=jnp.int64 if jax.config.jax_enable_x64 else jnp.int32)
    table = jax.random.normal(k_tab, (NUM_EMBEDDINGS, EMBED_DIM), dtype=jnp.float32)
    return {"tokens": tokens, "table": table}


def reference(tokens, table):
    # ConditionerONNXWrapper.forward: return self.embed(tokens)
    # nn.Embedding lookup -> gather rows of the table
    return jnp.take(table, tokens, axis=0)

if __name__ == "__main__":
    import jax
    _d = setup_inputs()
    print(jax.jit(kernel)(*tuple(_d.values())))

</pallas_src>

<mosaic_0001>
#map = affine_map<(d0, d1) -> (0, 0)>
#map1 = affine_map<(d0, d1) -> (0, 0, 0)>
module attributes {stable_mosaic.version = 14 : i64} {
  func.func @_emb_kernel(%arg0: i32, %arg1: i32, %arg2: memref<50x4096xi32, #tpu.memory_space<hbm>>, %arg3: memref<100000x128xf32, #tpu.memory_space<hbm>>, %arg4: memref<50x4096x128xf32, #tpu.memory_space<hbm>>, %arg5: memref<50x128xi32, #tpu.memory_space<vmem>>, %arg6: memref<4x128x128xf32, #tpu.memory_space<vmem>>, %arg7: memref<!tpu.dma_semaphore, #tpu.memory_space<semaphore_mem>>, %arg8: memref<!tpu.dma_semaphore, #tpu.memory_space<semaphore_mem>>) attributes {dimension_semantics = [#tpu.dimension_semantics<core_parallel>, #tpu.dimension_semantics<subcore_parallel>], iteration_bounds = array<i64: 2, 16>, scalar_prefetch = 0 : i64, scratch_operands = 4 : i64, tpu.core_type = #tpu.core_type<sc_vector_subcore>, window_params = [{transform_indices = #map}, {transform_indices = #map}, {transform_indices = #map1}]} {
    %mul3A = arith.constant 2 : i32
    %mul3A_0 = arith.muli %arg1, %mul3A : i32
    %add3A = arith.addi %mul3A_0, %arg0 : i32
    %mul3A_1 = arith.constant 128 : i32
    %mul3A_2 = arith.muli %add3A, %mul3A_1 : i32
    "tpu.region"() ({
      %run_scoped3A = tpu.sem_alloc : memref<!tpu.dma_semaphore, #tpu.memory_space<semaphore_mem>>
      %dma_start3A_230 = arith.constant 0 : i32
      %dma_start3A_231 = tpu.memref_slice %arg2[%dma_start3A_230, %mul3A_2] : memref<50x4096xi32, #tpu.memory_space<hbm>> -> memref<50x128xi32, #tpu.memory_space<hbm>>
      %dma_start3A_232 = arith.constant 0 : i32
      %dma_start3A_233 = tpu.memref_slice %arg2[%dma_start3A_232, %mul3A_2] : memref<50x4096xi32, #tpu.memory_space<hbm>> -> memref<50x128xi32, #tpu.memory_space<hbm>>
      tpu.enqueue_dma source(%dma_start3A_233 : memref<50x128xi32, #tpu.memory_space<hbm>>) target(%arg5 : memref<50x128xi32, #tpu.memory_space<vmem>>) target_semaphore(%run_scoped3A : memref<!tpu.dma_semaphore, #tpu.memory_space<semaphore_mem>>)
      %dma_wait3A_234 = arith.constant 0 : i32
      %dma_wait3A_235 = tpu.memref_slice %arg2[%dma_wait3A_234, %mul3A_2] : memref<50x4096xi32, #tpu.memory_space<hbm>> -> memref<50x128xi32, #tpu.memory_space<hbm>>
      %dma_wait3A_236 = arith.constant 0 : i32
      %dma_wait3A_237 = tpu.memref_slice %arg2[%dma_wait3A_236, %mul3A_2] : memref<50x4096xi32, #tpu.memory_space<hbm>> -> memref<50x128xi32, #tpu.memory_space<hbm>>
      tpu.wait_dma2 semaphore(%run_scoped3A : memref<!tpu.dma_semaphore, #tpu.memory_space<semaphore_mem>>) src(%dma_wait3A_237 : memref<50x128xi32, #tpu.memory_space<hbm>>) dst(%arg5 : memref<50x128xi32, #tpu.memory_space<vmem>>)
      tpu.yield
    }) : () -> ()
    %dma_start3A = arith.constant 0 : i32
    %dma_start3A_3 = arith.constant 0 : i32
    %dma_start3A_4 = arith.constant 0 : i32
    %dma_start3A_5 = arith.constant 0 : i32
    %dma_start3A_6 = tpu.memref_slice %arg6[%dma_start3A_3, %dma_start3A_4, %dma_start3A_5] : memref<4x128x128xf32, #tpu.memory_space<vmem>> -> memref<1x128x128xf32, #tpu.memory_space<vmem>>
    %dma_start3A_7 = tpu.memref_squeeze %dma_start3A_6 : memref<1x128x128xf32, #tpu.memory_space<vmem>> -> memref<128x128xf32, #tpu.memory_space<vmem>>
    %dma_start3A_8 = arith.constant 0 : i32
    %dma_start3A_9 = tpu.memref_slice %arg5[%dma_start3A, %dma_start3A_8] : memref<50x128xi32, #tpu.memory_space<vmem>> -> memref<1x128xi32, #tpu.memory_space<vmem>>
    %dma_start3A_10 = tpu.memref_squeeze %dma_start3A_9 : memref<1x128xi32, #tpu.memory_space<vmem>> -> memref<128xi32, #tpu.memory_space<vmem>>
    %dma_start3A_11 = arith.constant 0 : i32
    %dma_start3A_12 = arith.constant 0 : i32
    %dma_start3A_13 = tpu.memref_slice %arg3[%dma_start3A_11, %dma_start3A_12] : memref<100000x128xf32, #tpu.memory_space<hbm>> -> memref<100000x128xf32, #tpu.memory_space<hbm>>
    tpu.enqueue_indirect_dma source(%dma_start3A_13 : memref<100000x128xf32, #tpu.memory_space<hbm>>) target(%dma_start3A_7 : memref<128x128xf32, #tpu.memory_space<vmem>>) offsets(%dma_start3A_10 : memref<128xi32, #tpu.memory_space<vmem>>) semaphore(%arg7 : memref<!tpu.dma_semaphore, #tpu.memory_space<semaphore_mem>>)
    %dma_start3A_14 = arith.constant 1 : i32
    %dma_start3A_15 = arith.constant 1 : i32
    %dma_start3A_16 = arith.constant 0 : i32
    %dma_start3A_17 = arith.constant 0 : i32
    %dma_start3A_18 = tpu.memref_slice %arg6[%dma_start3A_15, %dma_start3A_16, %dma_start3A_17] : memref<4x128x128xf32, #tpu.memory_space<vmem>> -> memref<1x128x128xf32, #tpu.memory_space<vmem>>
    %dma_start3A_19 = tpu.memref_squeeze %dma_start3A_18 : memref<1x128x128xf32, #tpu.memory_space<vmem>> -> memref<128x128xf32, #tpu.memory_space<vmem>>
    %dma_start3A_20 = arith.constant 0 : i32
    %dma_start3A_21 = tpu.memref_slice %arg5[%dma_start3A_14, %dma_start3A_20] : memref<50x128xi32, #tpu.memory_space<vmem>> -> memref<1x128xi32, #tpu.memory_space<vmem>>
    %dma_start3A_22 = tpu.memref_squeeze %dma_start3A_21 : memref<1x128xi32, #tpu.memory_space<vmem>> -> memref<128xi32, #tpu.memory_space<vmem>>
    %dma_start3A_23 = arith.constant 0 : i32
    %dma_start3A_24 = arith.constant 0 : i32
    %dma_start3A_25 = tpu.memref_slice %arg3[%dma_start3A_23, %dma_start3A_24] : memref<100000x128xf32, #tpu.memory_space<hbm>> -> memref<100000x128xf32, #tpu.memory_space<hbm>>
    tpu.enqueue_indirect_dma source(%dma_start3A_25 : memref<100000x128xf32, #tpu.memory_space<hbm>>) target(%dma_start3A_19 : memref<128x128xf32, #tpu.memory_space<vmem>>) offsets(%dma_start3A_22 : memref<128xi32, #tpu.memory_space<vmem>>) semaphore(%arg7 : memref<!tpu.dma_semaphore, #tpu.memory_space<semaphore_mem>>)
    %dma_start3A_26 = arith.constant 2 : i32
    %dma_start3A_27 = arith.constant 2 : i32
    %dma_start3A_28 = arith.constant 0 : i32
    %dma_start3A_29 = arith.constant 0 : i32
    %dma_start3A_30 = tpu.memref_slice %arg6[%dma_start3A_27, %dma_start3A_28, %dma_start3A_29] : memref<4x128x128xf32, #tpu.memory_space<vmem>> -> memref<1x128x128xf32, #tpu.memory_space<vmem>>
    %dma_start3A_31 = tpu.memref_squeeze %dma_start3A_30 : memref<1x128x128xf32, #tpu.memory_space<vmem>> -> memref<128x128xf32, #tpu.memory_space<vmem>>
    %dma_start3A_32 = arith.constant 0 : i32
    %dma_start3A_33 = tpu.memref_slice %arg5[%dma_start3A_26, %dma_start3A_32] : memref<50x128xi32, #tpu.memory_space<vmem>> -> memref<1x128xi32, #tpu.memory_space<vmem>>
    %dma_start3A_34 = tpu.memref_squeeze %dma_start3A_33 : memref<1x128xi32, #tpu.memory_space<vmem>> -> memref<128xi32, #tpu.memory_space<vmem>>
    %dma_start3A_35 = arith.constant 0 : i32
    %dma_start3A_36 = arith.constant 0 : i32
    %dma_start3A_37 = tpu.memref_slice %arg3[%dma_start3A_35, %dma_start3A_36] : memref<100000x128xf32, #tpu.memory_space<hbm>> -> memref<100000x128xf32, #tpu.memory_space<hbm>>
    tpu.enqueue_indirect_dma source(%dma_start3A_37 : memref<100000x128xf32, #tpu.memory_space<hbm>>) target(%dma_start3A_31 : memref<128x128xf32, #tpu.memory_space<vmem>>) offsets(%dma_start3A_34 : memref<128xi32, #tpu.memory_space<vmem>>) semaphore(%arg7 : memref<!tpu.dma_semaphore, #tpu.memory_space<semaphore_mem>>)
    %dma_wait3A = arith.constant 0 : i32
    %dma_wait3A_38 = arith.constant 0 : i32
    %dma_wait3A_39 = arith.constant 0 : i32
    %dma_wait3A_40 = arith.constant 0 : i32
    %dma_wait3A_41 = tpu.memref_slice %arg6[%dma_wait3A_38, %dma_wait3A_39, %dma_wait3A_40] : memref<4x128x128xf32, #tpu.memory_space<vmem>> -> memref<1x128x128xf32, #tpu.memory_space<vmem>>
    %dma_wait3A_42 = tpu.memref_squeeze %dma_wait3A_41 : memref<1x128x128xf32, #tpu.memory_space<vmem>> -> memref<128x128xf32, #tpu.memory_space<vmem>>
    %dma_wait3A_43 = arith.constant 0 : i32
    %dma_wait3A_44 = tpu.memref_slice %arg5[%dma_wait3A, %dma_wait3A_43] : memref<50x128xi32, #tpu.memory_space<vmem>> -> memref<1x128xi32, #tpu.memory_space<vmem>>
    %dma_wait3A_45 = tpu.memref_squeeze %dma_wait3A_44 : memref<1x128xi32, #tpu.memory_space<vmem>> -> memref<128xi32, #tpu.memory_space<vmem>>
    %dma_wait3A_46 = arith.constant 0 : i32
    %dma_wait3A_47 = arith.constant 0 : i32
    %dma_wait3A_48 = tpu.memref_slice %arg3[%dma_wait3A_46, %dma_wait3A_47] : memref<100000x128xf32, #tpu.memory_space<hbm>> -> memref<100000x128xf32, #tpu.memory_space<hbm>>
    tpu.wait_indirect_dma semaphore(%arg7 : memref<!tpu.dma_semaphore, #tpu.memory_space<semaphore_mem>>) src(%dma_wait3A_48 : memref<100000x128xf32, #tpu.memory_space<hbm>>) dst(%dma_wait3A_42 : memref<128x128xf32, #tpu.memory_space<vmem>>)
    %dma_start3A_49 = arith.constant 0 : i32
    %dma_start3A_50 = arith.constant 0 : i32
    %dma_start3A_51 = arith.constant 0 : i32
    %dma_start3A_52 = arith.constant 0 : i32
    %dma_start3A_53 = tpu.memref_slice %arg6[%dma_start3A_49, %dma_start3A_51, %dma_start3A_52] : memref<4x128x128xf32, #tpu.memory_space<vmem>> -> memref<1x128x128xf32, #tpu.memory_space<vmem>>
    %dma_start3A_54 = tpu.memref_squeeze %dma_start3A_53 : memref<1x128x128xf32, #tpu.memory_space<vmem>> -> memref<128x128xf32, #tpu.memory_space<vmem>>
    %dma_start3A_55 = arith.constant 0 : i32
    %dma_start3A_56 = tpu.memref_slice %arg4[%dma_start3A_50, %mul3A_2, %dma_start3A_55] : memref<50x4096x128xf32, #tpu.memory_space<hbm>> -> memref<1x128x128xf32, #tpu.memory_space<hbm>>
    %dma_start3A_57 = tpu.memref_squeeze %dma_start3A_56 : memref<1x128x128xf32, #tpu.memory_space<hbm>> -> memref<128x128xf32, #tpu.memory_space<hbm>>
    %dma_start3A_58 = arith.constant 0 : i32
    %dma_start3A_59 = tpu.memref_slice %arg4[%dma_start3A_50, %mul3A_2, %dma_start3A_58] : memref<50x4096x128xf32, #tpu.memory_space<hbm>> -> memref<1x128x128xf32, #tpu.memory_space<hbm>>
    %dma_start3A_60 = tpu.memref_squeeze %dma_start3A_59 : memref<1x128x128xf32, #tpu.memory_space<hbm>> -> memref<128x128xf32, #tpu.memory_space<hbm>>
    %dma_start3A_61 = arith.constant 0 : i32
    %dma_start3A_62 = arith.constant 0 : i32
    %dma_start3A_63 = tpu.memref_slice %arg6[%dma_start3A_49, %dma_start3A_61, %dma_start3A_62] : memref<4x128x128xf32, #tpu.memory_space<vmem>> -> memref<1x128x128xf32, #tpu.memory_space<vmem>>
    %dma_start3A_64 = tpu.memref_squeeze %dma_start3A_63 : memref<1x128x128xf32, #tpu.memory_space<vmem>> -> memref<128x128xf32, #tpu.memory_space<vmem>>
    tpu.enqueue_dma source(%dma_start3A_64 : memref<128x128xf32, #tpu.memory_space<vmem>>) target(%dma_start3A_60 : memref<128x128xf32, #tpu.memory_space<hbm>>) target_semaphore(%arg8 : memref<!tpu.dma_semaphore, #tpu.memory_space<semaphore_mem>>)
    %dma_start3A_65 = arith.constant 3 : i32
    %dma_start3A_66 = arith.constant 3 : i32
    %dma_start3A_67 = arith.constant 0 : i32
    %dma_start3A_68 = arith.constant 0 : i32
    %dma_start3A_69 = tpu.memref_slice %arg6[%dma_start3A_66, %dma_start3A_67, %dma_start3A_68] : memref<4x128x128xf32, #tpu.memory_space<vmem>> -> memref<1x128x128xf32, #tpu.memory_space<vmem>>
    %dma_start3A_70 = tpu.memref_squeeze %dma_start3A_69 : memref<1x128x128xf32, #tpu.memory_space<vmem>> -> memref<128x128xf32, #tpu.memory_space<vmem>>
    %dma_start3A_71 = arith.constant 0 : i32
    %dma_start3A_72 = tpu.memref_slice %arg5[%dma_start3A_65, %dma_start3A_71] : memref<50x128xi32, #tpu.memory_space<vmem>> -> memref<1x128xi32, #tpu.memory_space<vmem>>
    %dma_start3A_73 = tpu.memref_squeeze %dma_start3A_72 : memref<1x128xi32, #tpu.memory_space<vmem>> -> memref<128xi32, #tpu.memory_space<vmem>>
    %dma_start3A_74 = arith.constant 0 : i32
    %dma_start3A_75 = arith.constant 0 : i32
    %dma_start3A_76 = tpu.memref_slice %arg3[%dma_start3A_74, %dma_start3A_75] : memref<100000x128xf32, #tpu.memory_space<hbm>> -> memref<100000x128xf32, #tpu.memory_space<hbm>>
    tpu.enqueue_indirect_dma source(%dma_start3A_76 : memref<100000x128xf32, #tpu.memory_space<hbm>>) target(%dma_start3A_70 : memref<128x128xf32, #tpu.memory_space<vmem>>) offsets(%dma_start3A_73 : memref<128xi32, #tpu.memory_space<vmem>>) semaphore(%arg7 : memref<!tpu.dma_semaphore, #tpu.memory_space<semaphore_mem>>)
    %scan3A = arith.constant 0 : i32
    %scan3A_77 = arith.constant 1 : i32
    %scan3A_78 = arith.constant 46 : i32
    %scan3A_79 = arith.addi %scan3A_77, %scan3A_78 : i32
    %scan3A_80 = arith.constant 1 : i32
    scf.for %scan3A_230 = %scan3A_77 to %scan3A_79 step %scan3A_80  : i32 {
      %rem3A = arith.constant 4 : i32
      %rem3A_231 = arith.remsi %scan3A_230, %rem3A : i32
      %add3A_232 = arith.constant 3 : i32
      %add3A_233 = arith.addi %scan3A_230, %add3A_232 : i32
      %rem3A_234 = arith.constant 4 : i32
      %rem3A_235 = arith.remsi %add3A_233, %rem3A_234 : i32
      %dma_wait3A_236 = arith.constant 0 : i32
      %dma_wait3A_237 = arith.constant 0 : i32
      %dma_wait3A_238 = tpu.memref_slice %arg6[%rem3A_231, %dma_wait3A_236, %dma_wait3A_237] : memref<4x128x128xf32, #tpu.memory_space<vmem>> -> memref<1x128x128xf32, #tpu.memory_space<vmem>>
      %dma_wait3A_239 = tpu.memref_squeeze %dma_wait3A_238 : memref<1x128x128xf32, #tpu.memory_space<vmem>> -> memref<128x128xf32, #tpu.memory_space<vmem>>
      %dma_wait3A_240 = arith.constant 0 : i32
      %dma_wait3A_241 = tpu.memref_slice %arg5[%scan3A_230, %dma_wait3A_240] : memref<50x128xi32, #tpu.memory_space<vmem>> -> memref<1x128xi32, #tpu.memory_space<vmem>>
      %dma_wait3A_242 = tpu.memref_squeeze %dma_wait3A_241 : memref<1x128xi32, #tpu.memory_space<vmem>> -> memref<128xi32, #tpu.memory_space<vmem>>
      %dma_wait3A_243 = arith.constant 0 : i32
      %dma_wait3A_244 = arith.constant 0 : i32
      %dma_wait3A_245 = tpu.memref_slice %arg3[%dma_wait3A_243, %dma_wait3A_244] : memref<100000x128xf32, #tpu.memory_space<hbm>> -> memref<100000x128xf32, #tpu.memory_space<hbm>>
      tpu.wait_indirect_dma semaphore(%arg7 : memref<!tpu.dma_semaphore, #tpu.memory_space<semaphore_mem>>) src(%dma_wait3A_245 : memref<100000x128xf32, #tpu.memory_space<hbm>>) dst(%dma_wait3A_239 : memref<128x128xf32, #tpu.memory_space<vmem>>)
      %dma_start3A_246 = arith.constant 0 : i32
      %dma_start3A_247 = arith.constant 0 : i32
      %dma_start3A_248 = tpu.memref_slice %arg6[%rem3A_231, %dma_start3A_246, %dma_start3A_247] : memref<4x128x128xf32, #tpu.memory_space<vmem>> -> memref<1x128x128xf32, #tpu.memory_space<vmem>>
      %dma_start3A_249 = tpu.memref_squeeze %dma_start3A_248 : memref<1x128x128xf32, #tpu.memory_space<vmem>> -> memref<128x128xf32, #tpu.memory_space<vmem>>
      %dma_start3A_250 = arith.constant 0 : i32
      %dma_start3A_251 = tpu.memref_slice %arg4[%scan3A_230, %mul3A_2, %dma_start3A_250] : memref<50x4096x128xf32, #tpu.memory_space<hbm>> -> memref<1x128x128xf32, #tpu.memory_space<hbm>>
      %dma_start3A_252 = tpu.memref_squeeze %dma_start3A_251 : memref<1x128x128xf32, #tpu.memory_space<hbm>> -> memref<128x128xf32, #tpu.memory_space<hbm>>
      %dma_start3A_253 = arith.constant 0 : i32
      %dma_start3A_254 = tpu.memref_slice %arg4[%scan3A_230, %mul3A_2, %dma_start3A_253] : memref<50x4096x128xf32, #tpu.memory_space<hbm>> -> memref<1x128x128xf32, #tpu.memory_space<hbm>>
      %dma_start3A_255 = tpu.memref_squeeze %dma_start3A_254 : memref<1x128x128xf32, #tpu.memory_space<hbm>> -> memref<128x128xf32, #tpu.memory_space<hbm>>
      %dma_start3A_256 = arith.constant 0 : i32
      %dma_start3A_257 = arith.constant 0 : i32
      %dma_start3A_258 = tpu.memref_slice %arg6[%rem3A_231, %dma_start3A_256, %dma_start3A_257] : memref<4x128x128xf32, #tpu.memory_space<vmem>> -> memref<1x128x128xf32, #tpu.memory_space<vmem>>
      %dma_start3A_259 = tpu.memref_squeeze %dma_start3A_258 : memref<1x128x128xf32, #tpu.memory_space<vmem>> -> memref<128x128xf32, #tpu.memory_space<vmem>>
      tpu.enqueue_dma source(%dma_start3A_259 : memref<128x128xf32, #tpu.memory_space<vmem>>) target(%dma_start3A_255 : memref<128x128xf32, #tpu.memory_space<hbm>>) target_semaphore(%arg8 : memref<!tpu.dma_semaphore, #tpu.memory_space<semaphore_mem>>)
      %sub3A = arith.constant 1 : i32
      %sub3A_260 = arith.subi %scan3A_230, %sub3A : i32
      %dma_wait3A_261 = arith.constant 0 : i32
      %dma_wait3A_262 = arith.constant 0 : i32
      %dma_wait3A_263 = tpu.memref_slice %arg6[%rem3A_235, %dma_wait3A_261, %dma_wait3A_262] : memref<4x128x128xf32, #tpu.memory_space<vmem>> -> memref<1x128x128xf32, #tpu.memory_space<vmem>>
      %dma_wait3A_264 = tpu.memref_squeeze %dma_wait3A_263 : memref<1x128x128xf32, #tpu.memory_space<vmem>> -> memref<128x128xf32, #tpu.memory_space<vmem>>
      %dma_wait3A_265 = arith.constant 0 : i32
      %dma_wait3A_266 = tpu.memref_slice %arg4[%sub3A_260, %mul3A_2, %dma_wait3A_265] : memref<50x4096x128xf32, #tpu.memory_space<hbm>> -> memref<1x128x128xf32, #tpu.memory_space<hbm>>
      %dma_wait3A_267 = tpu.memref_squeeze %dma_wait3A_266 : memref<1x128x128xf32, #tpu.memory_space<hbm>> -> memref<128x128xf32, #tpu.memory_space<hbm>>
      %dma_wait3A_268 = arith.constant 0 : i32
      %dma_wait3A_269 = tpu.memref_slice %arg4[%sub3A_260, %mul3A_2, %dma_wait3A_268] : memref<50x4096x128xf32, #tpu.memory_space<hbm>> -> memref<1x128x128xf32, #tpu.memory_space<hbm>>
      %dma_wait3A_270 = tpu.memref_squeeze %dma_wait3A_269 : memref<1x128x128xf32, #tpu.memory_space<hbm>> -> memref<128x128xf32, #tpu.memory_space<hbm>>
      %dma_wait3A_271 = arith.constant 0 : i32
      %dma_wait3A_272 = arith.constant 0 : i32
      %dma_wait3A_273 = tpu.memref_slice %arg6[%rem3A_235, %dma_wait3A_271, %dma_wait3A_272] : memref<4x128x128xf32, #tpu.memory_space<vmem>> -> memref<1x128x128xf32, #tpu.memory_space<vmem>>
      %dma_wait3A_274 = tpu.memref_squeeze %dma_wait3A_273 : memref<1x128x128xf32, #tpu.memory_space<vmem>> -> memref<128x128xf32, #tpu.memory_space<vmem>>
      tpu.wait_dma2 semaphore(%arg8 : memref<!tpu.dma_semaphore, #tpu.memory_space<semaphore_mem>>) src(%dma_wait3A_274 : memref<128x128xf32, #tpu.memory_space<vmem>>) dst(%dma_wait3A_270 : memref<128x128xf32, #tpu.memory_space<hbm>>)
      %add3A_275 = arith.constant 3 : i32
      %add3A_276 = arith.addi %scan3A_230, %add3A_275 : i32
      %dma_start3A_277 = arith.constant 0 : i32
      %dma_start3A_278 = arith.constant 0 : i32
      %dma_start3A_279 = tpu.memref_slice %arg6[%rem3A_235, %dma_start3A_277, %dma_start3A_278] : memref<4x128x128xf32, #tpu.memory_space<vmem>> -> memref<1x128x128xf32, #tpu.memory_space<vmem>>
      %dma_start3A_280 = tpu.memref_squeeze %dma_start3A_279 : memref<1x128x128xf32, #tpu.memory_space<vmem>> -> memref<128x128xf32, #tpu.memory_space<vmem>>
      %dma_start3A_281 = arith.constant 0 : i32
      %dma_start3A_282 = tpu.memref_slice %arg5[%add3A_276, %dma_start3A_281] : memref<50x128xi32, #tpu.memory_space<vmem>> -> memref<1x128xi32, #tpu.memory_space<vmem>>
      %dma_start3A_283 = tpu.memref_squeeze %dma_start3A_282 : memref<1x128xi32, #tpu.memory_space<vmem>> -> memref<128xi32, #tpu.memory_space<vmem>>
      %dma_start3A_284 = arith.constant 0 : i32
      %dma_start3A_285 = arith.constant 0 : i32
      %dma_start3A_286 = tpu.memref_slice %arg3[%dma_start3A_284, %dma_start3A_285] : memref<100000x128xf32, #tpu.memory_space<hbm>> -> memref<100000x128xf32, #tpu.memory_space<hbm>>
      tpu.enqueue_indirect_dma source(%dma_start3A_286 : memref<100000x128xf32, #tpu.memory_space<hbm>>) target(%dma_start3A_280 : memref<128x128xf32, #tpu.memory_space<vmem>>) offsets(%dma_start3A_283 : memref<128xi32, #tpu.memory_space<vmem>>) semaphore(%arg7 : memref<!tpu.dma_semaphore, #tpu.memory_space<semaphore_mem>>)
    }
    %scan3A_81 = arith.constant 46 : i32
    %dma_wait3A_82 = arith.constant 47 : i32
    %dma_wait3A_83 = arith.constant 3 : i32
    %dma_wait3A_84 = arith.constant 0 : i32
    %dma_wait3A_85 = arith.constant 0 : i32
    %dma_wait3A_86 = tpu.memref_slice %arg6[%dma_wait3A_83, %dma_wait3A_84, %dma_wait3A_85] : memref<4x128x128xf32, #tpu.memory_space<vmem>> -> memref<1x128x128xf32, #tpu.memory_space<vmem>>
    %dma_wait3A_87 = tpu.memref_squeeze %dma_wait3A_86 : memref<1x128x128xf32, #tpu.memory_space<vmem>> -> memref<128x128xf32, #tpu.memory_space<vmem>>
    %dma_wait3A_88 = arith.constant 0 : i32
    %dma_wait3A_89 = tpu.memref_slice %arg5[%dma_wait3A_82, %dma_wait3A_88] : memref<50x128xi32, #tpu.memory_space<vmem>> -> memref<1x128xi32, #tpu.memory_space<vmem>>
    %dma_wait3A_90 = tpu.memref_squeeze %dma_wait3A_89 : memref<1x128xi32, #tpu.memory_space<vmem>> -> memref<128xi32, #tpu.memory_space<vmem>>
    %dma_wait3A_91 = arith.constant 0 : i32
    %dma_wait3A_92 = arith.constant 0 : i32
    %dma_wait3A_93 = tpu.memref_slice %arg3[%dma_wait3A_91, %dma_wait3A_92] : memref<100000x128xf32, #tpu.memory_space<hbm>> -> memref<100000x128xf32, #tpu.memory_space<hbm>>
    tpu.wait_indirect_dma semaphore(%arg7 : memref<!tpu.dma_semaphore, #tpu.memory_space<semaphore_mem>>) src(%dma_wait3A_93 : memref<100000x128xf32, #tpu.memory_space<hbm>>) dst(%dma_wait3A_87 : memref<128x128xf32, #tpu.memory_space<vmem>>)
    %dma_start3A_94 = arith.constant 3 : i32
    %dma_start3A_95 = arith.constant 47 : i32
    %dma_start3A_96 = arith.constant 0 : i32
    %dma_start3A_97 = arith.constant 0 : i32
    %dma_start3A_98 = tpu.memref_slice %arg6[%dma_start3A_94, %dma_start3A_96, %dma_start3A_97] : memref<4x128x128xf32, #tpu.memory_space<vmem>> -> memref<1x128x128xf32, #tpu.memory_space<vmem>>
    %dma_start3A_99 = tpu.memref_squeeze %dma_start3A_98 : memref<1x128x128xf32, #tpu.memory_space<vmem>> -> memref<128x128xf32, #tpu.memory_space<vmem>>
    %dma_start3A_100 = arith.constant 0 : i32
    %dma_start3A_101 = tpu.memref_slice %arg4[%dma_start3A_95, %mul3A_2, %dma_start3A_100] : memref<50x4096x128xf32, #tpu.memory_space<hbm>> -> memref<1x128x128xf32, #tpu.memory_space<hbm>>
    %dma_start3A_102 = tpu.memref_squeeze %dma_start3A_101 : memref<1x128x128xf32, #tpu.memory_space<hbm>> -> memref<128x128xf32, #tpu.memory_space<hbm>>
    %dma_start3A_103 = arith.constant 0 : i32
    %dma_start3A_104 = tpu.memref_slice %arg4[%dma_start3A_95, %mul3A_2, %dma_start3A_103] : memref<50x4096x128xf32, #tpu.memory_space<hbm>> -> memref<1x128x128xf32, #tpu.memory_space<hbm>>
    %dma_start3A_105 = tpu.memref_squeeze %dma_start3A_104 : memref<1x128x128xf32, #tpu.memory_space<hbm>> -> memref<128x128xf32, #tpu.memory_space<hbm>>
    %dma_start3A_106 = arith.constant 0 : i32
    %dma_start3A_107 = arith.constant 0 : i32
    %dma_start3A_108 = tpu.memref_slice %arg6[%dma_start3A_94, %dma_start3A_106, %dma_start3A_107] : memref<4x128x128xf32, #tpu.memory_space<vmem>> -> memref<1x128x128xf32, #tpu.memory_space<vmem>>
    %dma_start3A_109 = tpu.memref_squeeze %dma_start3A_108 : memref<1x128x128xf32, #tpu.memory_space<vmem>> -> memref<128x128xf32, #tpu.memory_space<vmem>>
    tpu.enqueue_dma source(%dma_start3A_109 : memref<128x128xf32, #tpu.memory_space<vmem>>) target(%dma_start3A_105 : memref<128x128xf32, #tpu.memory_space<hbm>>) target_semaphore(%arg8 : memref<!tpu.dma_semaphore, #tpu.memory_space<semaphore_mem>>)
    %dma_wait3A_110 = arith.constant 2 : i32
    %dma_wait3A_111 = arith.constant 46 : i32
    %dma_wait3A_112 = arith.constant 0 : i32
    %dma_wait3A_113 = arith.constant 0 : i32
    %dma_wait3A_114 = tpu.memref_slice %arg6[%dma_wait3A_110, %dma_wait3A_112, %dma_wait3A_113] : memref<4x128x128xf32, #tpu.memory_space<vmem>> -> memref<1x128x128xf32, #tpu.memory_space<vmem>>
    %dma_wait3A_115 = tpu.memref_squeeze %dma_wait3A_114 : memref<1x128x128xf32, #tpu.memory_space<vmem>> -> memref<128x128xf32, #tpu.memory_space<vmem>>
    %dma_wait3A_116 = arith.constant 0 : i32
    %dma_wait3A_117 = tpu.memref_slice %arg4[%dma_wait3A_111, %mul3A_2, %dma_wait3A_116] : memref<50x4096x128xf32, #tpu.memory_space<hbm>> -> memref<1x128x128xf32, #tpu.memory_space<hbm>>
    %dma_wait3A_118 = tpu.memref_squeeze %dma_wait3A_117 : memref<1x128x128xf32, #tpu.memory_space<hbm>> -> memref<128x128xf32, #tpu.memory_space<hbm>>
    %dma_wait3A_119 = arith.constant 0 : i32
    %dma_wait3A_120 = tpu.memref_slice %arg4[%dma_wait3A_111, %mul3A_2, %dma_wait3A_119] : memref<50x4096x128xf32, #tpu.memory_space<hbm>> -> memref<1x128x128xf32, #tpu.memory_space<hbm>>
    %dma_wait3A_121 = tpu.memref_squeeze %dma_wait3A_120 : memref<1x128x128xf32, #tpu.memory_space<hbm>> -> memref<128x128xf32, #tpu.memory_space<hbm>>
    %dma_wait3A_122 = arith.constant 0 : i32
    %dma_wait3A_123 = arith.constant 0 : i32
    %dma_wait3A_124 = tpu.memref_slice %arg6[%dma_wait3A_110, %dma_wait3A_122, %dma_wait3A_123] : memref<4x128x128xf32, #tpu.memory_space<vmem>> -> memref<1x128x128xf32, #tpu.memory_space<vmem>>
    %dma_wait3A_125 = tpu.memref_squeeze %dma_wait3A_124 : memref<1x128x128xf32, #tpu.memory_space<vmem>> -> memref<128x128xf32, #tpu.memory_space<vmem>>
    tpu.wait_dma2 semaphore(%arg8 : memref<!tpu.dma_semaphore, #tpu.memory_space<semaphore_mem>>) src(%dma_wait3A_125 : memref<128x128xf32, #tpu.memory_space<vmem>>) dst(%dma_wait3A_121 : memref<128x128xf32, #tpu.memory_space<hbm>>)
    %dma_wait3A_126 = arith.constant 48 : i32
    %dma_wait3A_127 = arith.constant 0 : i32
    %dma_wait3A_128 = arith.constant 0 : i32
    %dma_wait3A_129 = arith.constant 0 : i32
    %dma_wait3A_130 = tpu.memref_slice %arg6[%dma_wait3A_127, %dma_wait3A_128, %dma_wait3A_129] : memref<4x128x128xf32, #tpu.memory_space<vmem>> -> memref<1x128x128xf32, #tpu.memory_space<vmem>>
    %dma_wait3A_131 = tpu.memref_squeeze %dma_wait3A_130 : memref<1x128x128xf32, #tpu.memory_space<vmem>> -> memref<128x128xf32, #tpu.memory_space<vmem>>
    %dma_wait3A_132 = arith.constant 0 : i32
    %dma_wait3A_133 = tpu.memref_slice %arg5[%dma_wait3A_126, %dma_wait3A_132] : memref<50x128xi32, #tpu.memory_space<vmem>> -> memref<1x128xi32, #tpu.memory_space<vmem>>
    %dma_wait3A_134 = tpu.memref_squeeze %dma_wait3A_133 : memref<1x128xi32, #tpu.memory_space<vmem>> -> memref<128xi32, #tpu.memory_space<vmem>>
    %dma_wait3A_135 = arith.constant 0 : i32
    %dma_wait3A_136 = arith.constant 0 : i32
    %dma_wait3A_137 = tpu.memref_slice %arg3[%dma_wait3A_135, %dma_wait3A_136] : memref<100000x128xf32, #tpu.memory_space<hbm>> -> memref<100000x128xf32, #tpu.memory_space<hbm>>
    tpu.wait_indirect_dma semaphore(%arg7 : memref<!tpu.dma_semaphore, #tpu.memory_space<semaphore_mem>>) src(%dma_wait3A_137 : memref<100000x128xf32, #tpu.memory_space<hbm>>) dst(%dma_wait3A_131 : memref<128x128xf32, #tpu.memory_space<vmem>>)
    %dma_start3A_138 = arith.constant 0 : i32
    %dma_start3A_139 = arith.constant 48 : i32
    %dma_start3A_140 = arith.constant 0 : i32
    %dma_start3A_141 = arith.constant 0 : i32
    %dma_start3A_142 = tpu.memref_slice %arg6[%dma_start3A_138, %dma_start3A_140, %dma_start3A_141] : memref<4x128x128xf32, #tpu.memory_space<vmem>> -> memref<1x128x128xf32, #tpu.memory_space<vmem>>
    %dma_start3A_143 = tpu.memref_squeeze %dma_start3A_142 : memref<1x128x128xf32, #tpu.memory_space<vmem>> -> memref<128x128xf32, #tpu.memory_space<vmem>>
    %dma_start3A_144 = arith.constant 0 : i32
    %dma_start3A_145 = tpu.memref_slice %arg4[%dma_start3A_139, %mul3A_2, %dma_start3A_144] : memref<50x4096x128xf32, #tpu.memory_space<hbm>> -> memref<1x128x128xf32, #tpu.memory_space<hbm>>
    %dma_start3A_146 = tpu.memref_squeeze %dma_start3A_145 : memref<1x128x128xf32, #tpu.memory_space<hbm>> -> memref<128x128xf32, #tpu.memory_space<hbm>>
    %dma_start3A_147 = arith.constant 0 : i32
    %dma_start3A_148 = tpu.memref_slice %arg4[%dma_start3A_139, %mul3A_2, %dma_start3A_147] : memref<50x4096x128xf32, #tpu.memory_space<hbm>> -> memref<1x128x128xf32, #tpu.memory_space<hbm>>
    %dma_start3A_149 = tpu.memref_squeeze %dma_start3A_148 : memref<1x128x128xf32, #tpu.memory_space<hbm>> -> memref<128x128xf32, #tpu.memory_space<hbm>>
    %dma_start3A_150 = arith.constant 0 : i32
    %dma_start3A_151 = arith.constant 0 : i32
    %dma_start3A_152 = tpu.memref_slice %arg6[%dma_start3A_138, %dma_start3A_150, %dma_start3A_151] : memref<4x128x128xf32, #tpu.memory_space<vmem>> -> memref<1x128x128xf32, #tpu.memory_space<vmem>>
    %dma_start3A_153 = tpu.memref_squeeze %dma_start3A_152 : memref<1x128x128xf32, #tpu.memory_space<vmem>> -> memref<128x128xf32, #tpu.memory_space<vmem>>
    tpu.enqueue_dma source(%dma_start3A_153 : memref<128x128xf32, #tpu.memory_space<vmem>>) target(%dma_start3A_149 : memref<128x128xf32, #tpu.memory_space<hbm>>) target_semaphore(%arg8 : memref<!tpu.dma_semaphore, #tpu.memory_space<semaphore_mem>>)
    %dma_wait3A_154 = arith.constant 3 : i32
    %dma_wait3A_155 = arith.constant 47 : i32
    %dma_wait3A_156 = arith.constant 0 : i32
    %dma_wait3A_157 = arith.constant 0 : i32
    %dma_wait3A_158 = tpu.memref_slice %arg6[%dma_wait3A_154, %dma_wait3A_156, %dma_wait3A_157] : memref<4x128x128xf32, #tpu.memory_space<vmem>> -> memref<1x128x128xf32, #tpu.memory_space<vmem>>
    %dma_wait3A_159 = tpu.memref_squeeze %dma_wait3A_158 : memref<1x128x128xf32, #tpu.memory_space<vmem>> -> memref<128x128xf32, #tpu.memory_space<vmem>>
    %dma_wait3A_160 = arith.constant 0 : i32
    %dma_wait3A_161 = tpu.memref_slice %arg4[%dma_wait3A_155, %mul3A_2, %dma_wait3A_160] : memref<50x4096x128xf32, #tpu.memory_space<hbm>> -> memref<1x128x128xf32, #tpu.memory_space<hbm>>
    %dma_wait3A_162 = tpu.memref_squeeze %dma_wait3A_161 : memref<1x128x128xf32, #tpu.memory_space<hbm>> -> memref<128x128xf32, #tpu.memory_space<hbm>>
    %dma_wait3A_163 = arith.constant 0 : i32
    %dma_wait3A_164 = tpu.memref_slice %arg4[%dma_wait3A_155, %mul3A_2, %dma_wait3A_163] : memref<50x4096x128xf32, #tpu.memory_space<hbm>> -> memref<1x128x128xf32, #tpu.memory_space<hbm>>
    %dma_wait3A_165 = tpu.memref_squeeze %dma_wait3A_164 : memref<1x128x128xf32, #tpu.memory_space<hbm>> -> memref<128x128xf32, #tpu.memory_space<hbm>>
    %dma_wait3A_166 = arith.constant 0 : i32
    %dma_wait3A_167 = arith.constant 0 : i32
    %dma_wait3A_168 = tpu.memref_slice %arg6[%dma_wait3A_154, %dma_wait3A_166, %dma_wait3A_167] : memref<4x128x128xf32, #tpu.memory_space<vmem>> -> memref<1x128x128xf32, #tpu.memory_space<vmem>>
    %dma_wait3A_169 = tpu.memref_squeeze %dma_wait3A_168 : memref<1x128x128xf32, #tpu.memory_space<vmem>> -> memref<128x128xf32, #tpu.memory_space<vmem>>
    tpu.wait_dma2 semaphore(%arg8 : memref<!tpu.dma_semaphore, #tpu.memory_space<semaphore_mem>>) src(%dma_wait3A_169 : memref<128x128xf32, #tpu.memory_space<vmem>>) dst(%dma_wait3A_165 : memref<128x128xf32, #tpu.memory_space<hbm>>)
    %dma_wait3A_170 = arith.constant 49 : i32
    %dma_wait3A_171 = arith.constant 1 : i32
    %dma_wait3A_172 = arith.constant 0 : i32
    %dma_wait3A_173 = arith.constant 0 : i32
    %dma_wait3A_174 = tpu.memref_slice %arg6[%dma_wait3A_171, %dma_wait3A_172, %dma_wait3A_173] : memref<4x128x128xf32, #tpu.memory_space<vmem>> -> memref<1x128x128xf32, #tpu.memory_space<vmem>>
    %dma_wait3A_175 = tpu.memref_squeeze %dma_wait3A_174 : memref<1x128x128xf32, #tpu.memory_space<vmem>> -> memref<128x128xf32, #tpu.memory_space<vmem>>
    %dma_wait3A_176 = arith.constant 0 : i32
    %dma_wait3A_177 = tpu.memref_slice %arg5[%dma_wait3A_170, %dma_wait3A_176] : memref<50x128xi32, #tpu.memory_space<vmem>> -> memref<1x128xi32, #tpu.memory_space<vmem>>
    %dma_wait3A_178 = tpu.memref_squeeze %dma_wait3A_177 : memref<1x128xi32, #tpu.memory_space<vmem>> -> memref<128xi32, #tpu.memory_space<vmem>>
    %dma_wait3A_179 = arith.constant 0 : i32
    %dma_wait3A_180 = arith.constant 0 : i32
    %dma_wait3A_181 = tpu.memref_slice %arg3[%dma_wait3A_179, %dma_wait3A_180] : memref<100000x128xf32, #tpu.memory_space<hbm>> -> memref<100000x128xf32, #tpu.memory_space<hbm>>
    tpu.wait_indirect_dma semaphore(%arg7 : memref<!tpu.dma_semaphore, #tpu.memory_space<semaphore_mem>>) src(%dma_wait3A_181 : memref<100000x128xf32, #tpu.memory_space<hbm>>) dst(%dma_wait3A_175 : memref<128x128xf32, #tpu.memory_space<vmem>>)
    %dma_start3A_182 = arith.constant 1 : i32
    %dma_start3A_183 = arith.constant 49 : i32
    %dma_start3A_184 = arith.constant 0 : i32
    %dma_start3A_185 = arith.constant 0 : i32
    %dma_start3A_186 = tpu.memref_slice %arg6[%dma_start3A_182, %dma_start3A_184, %dma_start3A_185] : memref<4x128x128xf32, #tpu.memory_space<vmem>> -> memref<1x128x128xf32, #tpu.memory_space<vmem>>
    %dma_start3A_187 = tpu.memref_squeeze %dma_start3A_186 : memref<1x128x128xf32, #tpu.memory_space<vmem>> -> memref<128x128xf32, #tpu.memory_space<vmem>>
    %dma_start3A_188 = arith.constant 0 : i32
    %dma_start3A_189 = tpu.memref_slice %arg4[%dma_start3A_183, %mul3A_2, %dma_start3A_188] : memref<50x4096x128xf32, #tpu.memory_space<hbm>> -> memref<1x128x128xf32, #tpu.memory_space<hbm>>
    %dma_start3A_190 = tpu.memref_squeeze %dma_start3A_189 : memref<1x128x128xf32, #tpu.memory_space<hbm>> -> memref<128x128xf32, #tpu.memory_space<hbm>>
    %dma_start3A_191 = arith.constant 0 : i32
    %dma_start3A_192 = tpu.memref_slice %arg4[%dma_start3A_183, %mul3A_2, %dma_start3A_191] : memref<50x4096x128xf32, #tpu.memory_space<hbm>> -> memref<1x128x128xf32, #tpu.memory_space<hbm>>
    %dma_start3A_193 = tpu.memref_squeeze %dma_start3A_192 : memref<1x128x128xf32, #tpu.memory_space<hbm>> -> memref<128x128xf32, #tpu.memory_space<hbm>>
    %dma_start3A_194 = arith.constant 0 : i32
    %dma_start3A_195 = arith.constant 0 : i32
    %dma_start3A_196 = tpu.memref_slice %arg6[%dma_start3A_182, %dma_start3A_194, %dma_start3A_195] : memref<4x128x128xf32, #tpu.memory_space<vmem>> -> memref<1x128x128xf32, #tpu.memory_space<vmem>>
    %dma_start3A_197 = tpu.memref_squeeze %dma_start3A_196 : memref<1x128x128xf32, #tpu.memory_space<vmem>> -> memref<128x128xf32, #tpu.memory_space<vmem>>
    tpu.enqueue_dma source(%dma_start3A_197 : memref<128x128xf32, #tpu.memory_space<vmem>>) target(%dma_start3A_193 : memref<128x128xf32, #tpu.memory_space<hbm>>) target_semaphore(%arg8 : memref<!tpu.dma_semaphore, #tpu.memory_space<semaphore_mem>>)
    %dma_wait3A_198 = arith.constant 0 : i32
    %dma_wait3A_199 = arith.constant 48 : i32
    %dma_wait3A_200 = arith.constant 0 : i32
    %dma_wait3A_201 = arith.constant 0 : i32
    %dma_wait3A_202 = tpu.memref_slice %arg6[%dma_wait3A_198, %dma_wait3A_200, %dma_wait3A_201] : memref<4x128x128xf32, #tpu.memory_space<vmem>> -> memref<1x128x128xf32, #tpu.memory_space<vmem>>
    %dma_wait3A_203 = tpu.memref_squeeze %dma_wait3A_202 : memref<1x128x128xf32, #tpu.memory_space<vmem>> -> memref<128x128xf32, #tpu.memory_space<vmem>>
    %dma_wait3A_204 = arith.constant 0 : i32
    %dma_wait3A_205 = tpu.memref_slice %arg4[%dma_wait3A_199, %mul3A_2, %dma_wait3A_204] : memref<50x4096x128xf32, #tpu.memory_space<hbm>> -> memref<1x128x128xf32, #tpu.memory_space<hbm>>
    %dma_wait3A_206 = tpu.memref_squeeze %dma_wait3A_205 : memref<1x128x128xf32, #tpu.memory_space<hbm>> -> memref<128x128xf32, #tpu.memory_space<hbm>>
    %dma_wait3A_207 = arith.constant 0 : i32
    %dma_wait3A_208 = tpu.memref_slice %arg4[%dma_wait3A_199, %mul3A_2, %dma_wait3A_207] : memref<50x4096x128xf32, #tpu.memory_space<hbm>> -> memref<1x128x128xf32, #tpu.memory_space<hbm>>
    %dma_wait3A_209 = tpu.memref_squeeze %dma_wait3A_208 : memref<1x128x128xf32, #tpu.memory_space<hbm>> -> memref<128x128xf32, #tpu.memory_space<hbm>>
    %dma_wait3A_210 = arith.constant 0 : i32
    %dma_wait3A_211 = arith.constant 0 : i32
    %dma_wait3A_212 = tpu.memref_slice %arg6[%dma_wait3A_198, %dma_wait3A_210, %dma_wait3A_211] : memref<4x128x128xf32, #tpu.memory_space<vmem>> -> memref<1x128x128xf32, #tpu.memory_space<vmem>>
    %dma_wait3A_213 = tpu.memref_squeeze %dma_wait3A_212 : memref<1x128x128xf32, #tpu.memory_space<vmem>> -> memref<128x128xf32, #tpu.memory_space<vmem>>
    tpu.wait_dma2 semaphore(%arg8 : memref<!tpu.dma_semaphore, #tpu.memory_space<semaphore_mem>>) src(%dma_wait3A_213 : memref<128x128xf32, #tpu.memory_space<vmem>>) dst(%dma_wait3A_209 : memref<128x128xf32, #tpu.memory_space<hbm>>)
    %dma_wait3A_214 = arith.constant 1 : i32
    %dma_wait3A_215 = arith.constant 49 : i32
    %dma_wait3A_216 = arith.constant 0 : i32
    %dma_wait3A_217 = arith.constant 0 : i32
    %dma_wait3A_218 = tpu.memref_slice %arg6[%dma_wait3A_214, %dma_wait3A_216, %dma_wait3A_217] : memref<4x128x128xf32, #tpu.memory_space<vmem>> -> memref<1x128x128xf32, #tpu.memory_space<vmem>>
    %dma_wait3A_219 = tpu.memref_squeeze %dma_wait3A_218 : memref<1x128x128xf32, #tpu.memory_space<vmem>> -> memref<128x128xf32, #tpu.memory_space<vmem>>
    %dma_wait3A_220 = arith.constant 0 : i32
    %dma_wait3A_221 = tpu.memref_slice %arg4[%dma_wait3A_215, %mul3A_2, %dma_wait3A_220] : memref<50x4096x128xf32, #tpu.memory_space<hbm>> -> memref<1x128x128xf32, #tpu.memory_space<hbm>>
    %dma_wait3A_222 = tpu.memref_squeeze %dma_wait3A_221 : memref<1x128x128xf32, #tpu.memory_space<hbm>> -> memref<128x128xf32, #tpu.memory_space<hbm>>
    %dma_wait3A_223 = arith.constant 0 : i32
    %dma_wait3A_224 = tpu.memref_slice %arg4[%dma_wait3A_215, %mul3A_2, %dma_wait3A_223] : memref<50x4096x128xf32, #tpu.memory_space<hbm>> -> memref<1x128x128xf32, #tpu.memory_space<hbm>>
    %dma_wait3A_225 = tpu.memref_squeeze %dma_wait3A_224 : memref<1x128x128xf32, #tpu.memory_space<hbm>> -> memref<128x128xf32, #tpu.memory_space<hbm>>
    %dma_wait3A_226 = arith.constant 0 : i32
    %dma_wait3A_227 = arith.constant 0 : i32
    %dma_wait3A_228 = tpu.memref_slice %arg6[%dma_wait3A_214, %dma_wait3A_226, %dma_wait3A_227] : memref<4x128x128xf32, #tpu.memory_space<vmem>> -> memref<1x128x128xf32, #tpu.memory_space<vmem>>
    %dma_wait3A_229 = tpu.memref_squeeze %dma_wait3A_228 : memref<1x128x128xf32, #tpu.memory_space<vmem>> -> memref<128x128xf32, #tpu.memory_space<vmem>>
    tpu.wait_dma2 semaphore(%arg8 : memref<!tpu.dma_semaphore, #tpu.memory_space<semaphore_mem>>) src(%dma_wait3A_229 : memref<128x128xf32, #tpu.memory_space<vmem>>) dst(%dma_wait3A_225 : memref<128x128xf32, #tpu.memory_space<hbm>>)
    return
  }
}

</mosaic_0001>

<sc_bundles>
// kernel: kernel.3.cloned.1.call-start
scs
__scs_entry_jumppad:
0x0: {  	(pc) =	sbr.rel $0x88, $3  }
0x1: {  	(tag) =	ssettag $0x0;
	lr =	simm.s32 $0x1  }
0x2: {  	[smem:$0x3F9F] =	sst lr;
	_ =	strace $0xD0000000  }
0x3: {  	_ = 	snop  }
0x4: {  	_ = 	snop  }
0x5: {  	_ = 	snop  }
0x6: {  	_ = 	snop  }
0x7: {  	_ = 	snop  }
__scs_overlays_trampoline_lowered:
0x8: {  	[smem:$0x3FAE] =	sst s0  }
0x9: {  	[smem:$0x3FAF] =	sst s1  }
0xa: {  	[smem:$0x3FB0] =	sst s2  }
0xb: {  	[smem:$0x3FB1] =	sst s3  }
0xc: {  	[smem:$0x3FB2] =	sst s4  }
0xd: {  	[smem:$0x3FB3] =	sst s5  }
0xe: {  	[smem:$0x3FB4] =	sst s6  }
0xf: {  	[smem:$0x3FB5] =	sst s7  }
0x10: {  	[smem:$0x3FB6] =	sst s8  }
0x11: {  	[smem:$0x3FB7] =	sst s9;
	s0 =	simm.s32 @!p0 $0x0  }
0x12: {  	s1 =	sld [smem:$0x3F9D];
	s0 =	simm.s32 @p0 $0x1  }
0x13: {  	[smem:$0x3FB8] =	sst s0;
	s0 =	simm.s32 @!p1 $0x0  }
0x14: {  	s2 =	sld [smem:$0x3F9C];
	s0 =	simm.s32 @p1 $0x1  }
0x15: {  	[smem:$0x3FB9] =	sst s0;
	s0 =	simm.s32 @!p2 $0x0  }
0x16: {  	s3 =	sld [smem:$0x3FDB];
	s0 =	simm.s32 @p2 $0x1  }
0x17: {  	s4 =	simm.s32 $0x1BF5;
	[smem:$0x3FBB] =	sst s0  }
0x18: {  	s0 =	sld [smem:$0x3F9E];
	_ =	swait.ge [sflag:s4], $0x0  }
0x19: {  	s7 =	sld [smem:$0x3F9F]  }
0x1a: {  	s8 =	sadd.s32 $0xFFFFE003, lr  }
0x1b: {  	s9 =	sadd.s32 $0xFFFFFEF7, lr;
	s5 =	simm.s32 $0xFFFFFFFF;
	p2 =	slt.u32 s8, $0xFFFFF086  }
0x1c: {  	p1 =	slt.u32 s9, $0xF7A;
	s5 =	simm.s32 @!p2 $0x0  }
0x1d: {  	s5 =	simm.s32 @p1 $0x1;
	p0 =	seq.s32 s7, s2  }
0x1e: {  	s7 =	smul.u32 @!p0 $0xF7A, s2;
	p2 =	seq.s32 @!p0 s5, $0x0  }
0x1f: {  	s9 =	smul.u32 $0xF7A, s1;
	s8 =	simm.s32 @!p0 $0x1BF5;
	p2 =	por !p2, p0  }
0x20: {  	[sflag:s8] =	ssyncset.s32 @!p0 $0xFFFFF086;
	s6 =	sadd.s32 @!p0 s3, s7;
	s7 =	simm.s32 @!p0 $0x108  }
0x21: {  	s3 =	sadd.s32 s3, s9;
	s6 =	sadd.s32 @!p0 $0x88, s6;
	s7 =	simm.s32 @p2 $0x1082  }
0x22: {  	[simem:s7], [sflag:s8] =	dma.local @!p0 [hbm:s6], $0xF7A  }
0x23: {  	s9 =	sor.u32 $0xD0000000, s2;
	s6 =	simm.s32 $0x108;
	_ =	swait.ge @!p0 [sflag:s8], $0x0  }
0x24: {  	s3 =	sadd.s32 $0x88, s3;
	s6 =	simm.s32 @!p1 $0x1082;
	[sflag:s4] =	ssyncset.s32 $0xFFFFF086  }
0x25: {  	[simem:s6], [sflag:s4] =	dma.local [hbm:s3], $0xF7A  }
0x26: {  	[smem:$0x3F9F] =	sst s1;
	(tag) =	ssettag s2;
	_ =	strace s9  }
0x27: {  	s1 =	sld [smem:$0x3FAF]  }
0x28: {  	s2 =	sld [smem:$0x3FB0]  }
0x29: {  	s4 =	sld [smem:$0x3FB2]  }
0x2a: {  	p0 =	seq.s32 s5, $0x0;
	s5 =	sld [smem:$0x3FB3]  }
0x2b: {  	s6 =	sld [smem:$0x3FB4]  }
0x2c: {  	s7 =	sld [smem:$0x3FB5]  }
0x2d: {  	s3 =	simm.s32 $0x108;
	s8 =	sld [smem:$0x3FB6]  }
0x2e: {  	s3 =	simm.s32 @!p0 $0x1082;
	s9 =	sld [smem:$0x3FB7]  }
0x2f: {  	lr =	sadd.s32 s0, s3;
	s0 =	sld [smem:$0x3FAE]  }
0x30: {  	s3 =	sld [smem:$0x3FB1]  }
0x31: {  	[smem:$0x3FBA] =	sst s10  }
0x32: {  	s10 =	sld [smem:$0x3FB8];
	_ =	sdelay $0x3  }
0x33: {  	p0 =	seq.s32 s10, $0x1;
	s10 =	sld [smem:$0x3FBA];
	_ =	sdelay $0x3  }
0x34: {  	[smem:$0x3FBA] =	sst s10  }
0x35: {  	s10 =	sld [smem:$0x3FB9];
	_ =	sdelay $0x3  }
0x36: {  	p1 =	seq.s32 s10, $0x1;
	s10 =	sld [smem:$0x3FBA];
	_ =	sdelay $0x3  }
0x37: {  	[smem:$0x3FBA] =	sst s10  }
0x38: {  	s10 =	sld [smem:$0x3FBB]  }
0x39: {  	_ = 	snop;
	(pc) =	sbr.ind lr, $3  }
0x3a: {  	_ = 	snop  }
0x3b: {  	_ = 	snop  }
0x3c: {  	p2 =	seq.s32 s10, $0x1;
	s10 =	sld [smem:$0x3FBA]  }
0x3d: {  	_ =	shalt  }
0x3e: {  	_ =	shalt  }
0x3f: {  	_ =	shalt  }
0x40: {  	_ =	shalt  }
0x41: {  	_ =	shalt  }
0x42: {  	_ =	shalt  }
0x43: {  	_ =	shalt  }
0x44: {  	_ =	shalt  }
0x45: {  	_ =	shalt  }
0x46: {  	_ =	shalt  }
0x47: {  	_ =	shalt  }
0x48: {  	_ =	shalt  }
0x49: {  	_ =	shalt  }
0x4a: {  	_ =	shalt  }
0x4b: {  	_ =	shalt  }
0x4c: {  	_ =	shalt  }
0x4d: {  	_ =	shalt  }
0x4e: {  	_ =	shalt  }
0x4f: {  	_ =	shalt  }
0x50: {  	_ =	shalt  }
0x51: {  	_ =	shalt  }
0x52: {  	_ =	shalt  }
0x53: {  	_ =	shalt  }
0x54: {  	_ =	shalt  }
0x55: {  	_ =	shalt  }
0x56: {  	_ =	shalt  }
0x57: {  	_ =	shalt  }
0x58: {  	_ =	shalt  }
0x59: {  	_ =	shalt  }
0x5a: {  	_ =	shalt  }
0x5b: {  	_ =	shalt  }
0x5c: {  	_ =	shalt  }
0x5d: {  	_ =	shalt  }
0x5e: {  	_ =	shalt  }
0x5f: {  	_ =	shalt  }
0x60: {  	_ =	shalt  }
0x61: {  	_ =	shalt  }
0x62: {  	_ =	shalt  }
0x63: {  	_ =	shalt  }
0x64: {  	_ =	shalt  }
0x65: {  	_ =	shalt  }
0x66: {  	_ =	shalt  }
0x67: {  	_ =	shalt  }
0x68: {  	_ =	shalt  }
0x69: {  	_ =	shalt  }
0x6a: {  	_ =	shalt  }
0x6b: {  	_ =	shalt  }
0x6c: {  	_ =	shalt  }
0x6d: {  	_ =	shalt  }
0x6e: {  	_ =	shalt  }
0x6f: {  	_ =	shalt  }
0x70: {  	_ =	shalt  }
0x71: {  	_ =	shalt  }
0x72: {  	_ =	shalt  }
0x73: {  	_ =	shalt  }
0x74: {  	_ =	shalt  }
0x75: {  	_ =	shalt  }
0x76: {  	_ =	shalt  }
0x77: {  	_ =	shalt  }
0x78: {  	_ =	shalt  }
0x79: {  	_ =	shalt  }
0x7a: {  	_ =	shalt  }
0x7b: {  	_ =	shalt  }
0x7c: {  	_ =	shalt  }
0x7d: {  	_ =	shalt  }
0x7e: {  	_ =	shalt  }
0x7f: {  	_ =	shalt  }
0x80: {  	_ =	shalt  }
0x81: {  	_ =	shalt  }
0x82: {  	_ =	shalt  }
0x83: {  	_ =	shalt  }
0x84: {  	_ =	shalt  }
0x85: {  	_ =	shalt  }
0x86: {  	_ =	shalt  }
0x87: {  	_ =	shalt  }
.Lfunc_end0:
.L_simem_size_0:
called_computation_lowered:
.L_overlay_start_0:
0x88: {  	s2 =	sld [smem:$0x3FD9]  }
0x89: {  	s3 =	sld [smem:$0x3FFE];
	_ =	sdelay $0x1  }
0x8a: {  	s1 =	srdreg.scid  }
0x8b: {  	s0 =	sand.u32 $0x1, s1  }
0x8c: {  	s18 =	sshll.u32 s0, $0xA;
	s2 =	sadd.s32 s3, s2  }
0x8d: {  	s2 =	sadd.s32 s2, s18  }
0x8e: {  	[smem:$0x3FC6] =	sst s2  }
0x8f: {  	_ = 	snop  }
0x90: {  	s2 =	sld [smem:$0x3FC9]  }
0x91: {  	s19 =	sld [smem:$0x3FC8]  }
0x92: {  	s4 =	sld [smem:$0x3FD0];
	(tm) =	ssettm $0x1  }
0x93: {  	s5 =	sld [smem:$0x3FFB];
	_ =	sdelay $0x3  }
0x94: {  	_ =	strace s5  }
0x95: {  	s5 =	sld [smem:$0x3FFC];
	_ =	sdelay $0x3  }
0x96: {  	_ =	strace s5  }
0x97: {  	s5 =	sld [smem:$0x3FFD];
	_ =	sdelay $0x3  }
0x98: {  	_ =	strace s5  }
0x99: {  	_ =	strace $0x8FFFFFFF  }
0x9a: {  	s20 =	sld [smem:$0x3FDB];
	_ =	sdelay $0x1  }
0x9b: {  	s6 =	simm.s32 $_scs_section_size  }
0x9c: {  	s7 =	simm.s32 $_size__tile_overlayer_lowered;
	s8 =	simm.s32 $_tile_overlayer_lowered  }
0x9d: {  	s23 =	simm.s32 $0x1BFF;
	s22 =	sshll.u32 s8, $0x1;
	s5 =	sadd.s32 s6, s20  }
0x9e: {  	s9 =	simm.s32 $0x0;
	s21 =	sshll.u32 s7, $0x1;
	s7 =	sadd.s32 s22, s5  }
0x9f: {  	[timem:s9], [sflag:s23] =	dma.local [hbm:s7], s21  }
0xa0: {  	_ =	swait.ge [sflag:s23], s21  }
0xa1: {  	s6 =	ssub.s32 $0x0, s21;
	[sflag:s23] =	ssyncset.done $0x0  }
0xa2: {  	[sflag:s23] =	ssyncadd.s32 s6;
	_ =	sdelay $0x1  }
0xa3: {  	s24 =	simm.s32 $0x1B8B  }
0xa4: {  	_ =	swait.ge [sflag:s24], $0x1  }
0xa5: {  	[sflag:s24] =	ssyncset.done $0x0  }
0xa6: {  	s25 =	simm.s32 $0x1B8E;
	[sflag:s24] =	ssyncadd.s32 $0xFFFFFFFF  }
0xa7: {  	s26 =	simm.s32 $execute0_lowered;
	[smem:$0x3FD2] =	sst s25  }
0xa8: {  	s6 =	sshll.u32 s26, $0x1;
	_ =	strace $0x80000046;
	[dreg:$0x1] =	wrdreg $0xFFFFFFFF  }
0xa9: {  	s28 =	simm.s32 $_size_execute0_lowered;
	s5 =	sadd.s32 s5, s6;
	[dreg:$0x0] =	wrdreg $0x0  }
0xaa: {  	s6 =	sshll.u32 s28, $0x1;
	[dreg:$0x2] =	wrdreg s5  }
0xab: {  	[dreg:$0x3] =	wrdreg s6  }
0xac: {  	[dreg:$0x4] =	wrdreg $0xC0  }
0xad: {  	_ =	task [dreg:s9], $0x5FFFF  }
0xae: {  	[dreg:$0x1] =	wrdreg $0xFFFFFFFF  }
0xaf: {  	[dreg:$0x0] =	wrdreg $0x60  }
0xb0: {  	[dreg:$0x2] =	wrdreg s2  }
0xb1: {  	[dreg:$0x3] =	wrdreg s19  }
0xb2: {  	[dreg:$0x4] =	wrdreg s4  }
0xb3: {  	[dreg:$0x5] =	wrdreg $0x9  }
0xb4: {  	_ =	task.clear_ibuf [dreg:s9], $0x6FFFF;
	_ =	strace $0x90000046  }
0xb5: {  	s29 =	simm.s32 $0x9;
	_ =	strace $0x80000048  }
0xb6: {  	_ =	swait.ge [sflag:s29], $0x1  }
0xb7: {  	[sflag:s29] =	ssyncadd.s32 $0xFFFFFFFF  }
0xb8: {  	_ =	strace $0x90000048  }
0xb9: {  	_ =	sfence  }
0xba: {  	s30 =	sld [smem:$0x0];
	_ =	sdelay $0x2  }
0xbb: {  	s31 =	sshll.u32 s1, $0xD;
	s1 =	sshrl.u32 s1, $0x2  }
0xbc: {  	s3 =	sand.u32 $0x4000, s31;
	s1 =	sadd.s32 s1, s30  }
0xbd: {  	s0 =	sor.u32 s3, s0;
	s1 =	sshll.u32 s1, $0x11  }
0xbe: {  	s0 =	sor.u32 s1, s0  }
0xbf: {  	s0 =	sadd.s32 $0x8F2B, s0  }
0xc0: {  	[sflag:s0] =	ssyncadd.remote.s32 $0x1  }
0xc1: {  	_ =	sfence.sel $0xFFFF  }
0xc2: {  	[dreg:$0x0] =	wrdreg $0xFFFFFFFF;
	(pc) =	sbr.abs _section_cstart, $3  }
0xc3: {  	[dreg:$0x1] =	wrdreg $0xFFFFFFFF  }
0xc4: {  	_ =	task.clear_ibuf [dreg:s9], $0x2FFFF;
	_ =	strace $0x9FFFFFFF  }
0xc5: {  	(tm) =	ssettm $0x7FFFFFFF  }
tec
execute0_lowered:
.L_overlay_start_1:
0x0: {  	(tag) =	ssettag $0x1  }
0x1: {  	s4 =	rddreg [dreg:$0x0]  }
0x2: {  	s2 =	rddreg [dreg:$0x1]  }
0x3: {  	s9 =	rddreg [dreg:$0x2]  }
0x4: {  	s3 =	srdreg.scid;
	s1 =	stileid.u32;
	s14 =	simm.s32 $0x1800  }
0x5: {  	s15 =	simm.s32 $0x3;
	s16 =	simm.s32 $0x80;
	s17 =	simm.s32 $0x1C00  }
0x6: {  	s18 =	simm.s32 $0x5C00;
	s19 =	simm.s32 $0x100;
	s20 =	simm.s32 $0x9C00  }
0x7: {  	s21 =	simm.s32 $0x1;
	s22 =	simm.s32 $0x180;
	s23 =	simm.s32 $0xDC00  }
0x8: {  	s24 =	simm.s32 $0x2;
	s25 =	simm.s32 $0x0;
	s10 =	sand.u32 $0x1, s3  }
0x9: {  	s3 =	simm.s32 $0x0;
	s5 =	sshll.u32 s1, $0x8;
	s12 =	sshll.u32 s1, $0xC  }
0xa: {  	s6 =	sshll.u32 s10, $0x7;
	[smem:$0x7FF] =	sst s3;
	s7 =	ssub.s32 $0x2, s10  }
0xb: {  	s12 =	sadd.s32 s12, s9;
	s13 =	sshll.u32 s10, $0xB;
	s5 =	sor.u32 s6, s5  }
0xc: {  	_ =	strace $0x80000047;
	s30 =	sshrl.u32 s7, $0x1;
	s31 =	sadd.s32 s13, s12  }
0xd: {  	s12 =	simm.s32 $0x400;
	s13 =	simm.s32 $0x8000;
	s8 =	sshll.u32 s5, $0x4  }
0xe: {  	s11 =	ssub.s32 s7, s30;
	s4 =	sadd.s32 s4, s5;
	s5 =	sadd.s32 s9, s8  }
0xf: {  	s6 =	sadd.s32 $0x6000, s4;
	s10 =	smax.u32 s11, $0x1;
	s11 =	sadd.s32 $0x10000, s31  }
0x10: {  	s7 =	sadd.s32 $0x2F0000, s5;
	s8 =	sadd.s32 $0x300000, s5;
	s9 =	sadd.s32 $0x310000, s5  }
.LBB2_1:
0x11: {  	[tilespmem:s3], [sflag:$0x3] =	stream.strided.gather [hbm4b:s4+s12], $0x1800, s13, s12, $0x38;
	[tilespmem:$0x11C00] =	vst v63  }
0x12: {  	_ = 	snop  }
0x13: {  	[tilespmem:s14], [sflag:$0x3] =	stream.linear.gather [hbm4b:s6+s3], $0x100, $0x38;
	[tilespmem:$0x11C00] =	vst v63  }
0x14: {  	_ =	swait.ge [sflag:s15], $0x1900  }
0x15: {  	[sflag:s15] =	ssyncset.done $0x0  }
0x16: {  	[sflag:s15] =	ssyncadd.s32 $0xFFFFE700  }
0x17: {  	[tilespmem:s17], [sflag:$0x1] =	stream.indirect.gather [hbm4b:s2+s16], $0x80, s3, s16, $0xb8;
	[tilespmem:$0x11C00] =	vst v63  }
0x18: {  	_ = 	snop  }
0x19: {  	[tilespmem:s18], [sflag:$0x1] =	stream.indirect.gather [hbm4b:s2+s16], $0x80, s16, s16, $0xb8;
	[tilespmem:$0x11C00] =	vst v63  }
0x1a: {  	_ = 	snop  }
0x1b: {  	[tilespmem:s20], [sflag:$0x1] =	stream.indirect.gather [hbm4b:s2+s16], $0x80, s19, s16, $0xb8;
	[tilespmem:$0x11C00] =	vst v63  }
0x1c: {  	_ =	swait.ge [sflag:s21], $0x4000  }
0x1d: {  	[sflag:s21] =	ssyncset.done $0x0  }
0x1e: {  	[sflag:s21] =	ssyncadd.s32 $0xFFFFC000  }
0x1f: {  	[hbm4b:s5+s3] =	stream.linear.scatter [tilespmem:s17], [sflag:$0x2], $0x4000, $0x38;
	[tilespmem:$0x11C00] =	vst v63  }
0x20: {  	s26 =	simm.s32 $0x10000;
	s29 =	simm.s32 $0x40000  }
0x21: {  	[tilespmem:s23], [sflag:$0x1] =	stream.indirect.gather [hbm4b:s2+s16], $0x80, s22, s16, $0xb8;
	[tilespmem:$0x11C00] =	vst v63  }
0x22: {  	s28 =	sadd.s32 $0x40000, s11;
	s26 =	sand.u32 $0x30000, s26;
	_ =	swait.ge [sflag:s21], $0x4000  }
0x23: {  	s28 =	sadd.s32 $0xFFFC0000, s28;
	s26 =	sshrl.u32 s26, $0x2;
	[sflag:s21] =	ssyncset.done $0x0  }
0x24: {  	s29 =	sand.u32 $0x30000, s29;
	s26 =	sor.u32 $0x1C00, s26;
	[sflag:s21] =	ssyncadd.s32 $0xFFFFC000  }
0x25: {  	[hbm4b:s28+s3] =	stream.linear.scatter [tilespmem:s26], [sflag:$0x2], $0x4000, $0x38;
	[tilespmem:$0x11C00] =	vst v63  }
0x26: {  	s29 =	sshrl.u32 s29, $0x2;
	_ =	swait.ge [sflag:s24], $0x4000  }
0x27: {  	s30 =	sor.u32 $0x1C00, s29;
	s29 =	simm.s32 $0x280;
	[sflag:s24] =	ssyncset.done $0x0  }
0x28: {  	s28 =	simm.s32 $0x200;
	s26 =	simm.s32 $0x50000;
	[sflag:s24] =	ssyncadd.s32 $0xFFFFC000  }
.LBB2_2:
0x29: {  	[tilespmem:s30], [sflag:$0x1] =	stream.indirect.gather [hbm4b:s2+s16], $0x80, s28, s16, $0xb8;
	[tilespmem:$0x11C00] =	vst v63  }
0x2a: {  	p0 =	sne.s32 s26, $0x310000;
	s30 =	smov.u32 s26;
	s26 =	sadd.s32 $0x10000, s26  }
0x2b: {  	s28 =	smov.u32 s29;
	s31 =	sadd.s32 $0xFFFD0000, s30  }
0x2c: {  	s0 =	sadd.s32 s30, s11;
	s31 =	sand.u32 $0x30000, s31;
	_ =	swait.ge [sflag:s21], $0x4000  }
0x2d: {  	s0 =	sadd.s32 $0xFFFC0000, s0;
	s31 =	sshrl.u32 s31, $0x2;
	[sflag:s21] =	ssyncset.done $0x0  }
.Ltmp0:
0x2e: {  	s31 =	sor.u32 $0x1C00, s31;
	[sflag:s21] =	ssyncadd.s32 $0xFFFFC000;
	(pc) =	sbr.rel @p0 .LBB2_2-.Ltmp0, $4  }
0x2f: {  	[hbm4b:s0+s3] =	stream.linear.scatter [tilespmem:s31], [sflag:$0x2], $0x4000, $0x38;
	[tilespmem:$0x11C00] =	vst v63  }
0x30: {  	s0 =	sand.u32 $0x30000, s30;
	_ =	swait.ge [sflag:s24], $0x4000  }
0x31: {  	s0 =	sshrl.u32 s0, $0x2;
	[sflag:s24] =	ssyncset.done $0x0  }
0x32: {  	s29 =	sadd.s32 $0x80, s29;
	s30 =	sor.u32 $0x1C00, s0;
	[sflag:s24] =	ssyncadd.s32 $0xFFFFC000  }
0x33: {  	[tilespmem:s30], [sflag:$0x1] =	stream.indirect.gather [hbm4b:s2+s16], $0x80, s28, s16, $0xb8;
	[tilespmem:$0x11C00] =	vst v63  }
0x34: {  	_ =	swait.ge [sflag:s21], $0x4000  }
0x35: {  	[sflag:s21] =	ssyncset.done $0x0  }
0x36: {  	[sflag:s21] =	ssyncadd.s32 $0xFFFFC000  }
0x37: {  	[hbm4b:s7+s3] =	stream.linear.scatter [tilespmem:s23], [sflag:$0x2], $0x4000, $0x38;
	[tilespmem:$0x11C00] =	vst v63  }
0x38: {  	_ =	swait.ge [sflag:s24], $0x4000  }
0x39: {  	[sflag:s24] =	ssyncset.done $0x0  }
0x3a: {  	[sflag:s24] =	ssyncadd.s32 $0xFFFFC000  }
0x3b: {  	_ =	swait.ge [sflag:s21], $0x4000  }
0x3c: {  	[sflag:s21] =	ssyncset.done $0x0  }
0x3d: {  	[sflag:s21] =	ssyncadd.s32 $0xFFFFC000  }
0x3e: {  	[hbm4b:s8+s3] =	stream.linear.scatter [tilespmem:s17], [sflag:$0x2], $0x4000, $0x38;
	[tilespmem:$0x11C00] =	vst v63  }
0x3f: {  	_ =	swait.ge [sflag:s24], $0x4000  }
0x40: {  	[sflag:s24] =	ssyncset.done $0x0  }
0x41: {  	[sflag:s24] =	ssyncadd.s32 $0xFFFFC000  }
0x42: {  	_ =	swait.ge [sflag:s21], $0x4000  }
0x43: {  	[sflag:s21] =	ssyncset.done $0x0  }
0x44: {  	s25 =	sadd.s32 $0x1, s25;
	[sflag:s21] =	ssyncadd.s32 $0xFFFFC000  }
0x45: {  	[hbm4b:s9+s3] =	stream.linear.scatter [tilespmem:s18], [sflag:$0x2], $0x4000, $0x38;
	[tilespmem:$0x11C00] =	vst v63  }
0x46: {  	p0 =	sne.s32 s25, s10;
	_ =	swait.ge [sflag:s24], $0x4000  }
.Ltmp1:
0x47: {  	[sflag:s24] =	ssyncset.done $0x0;
	(pc) =	sbr.rel @p0 .LBB2_1-.Ltmp1, $4  }
0x48: {  	[sflag:s24] =	ssyncadd.s32 $0xFFFFC000  }
0x49: {  	_ =	swait.ge [sflag:s24], $0x4000  }
0x4a: {  	[sflag:s24] =	ssyncset.done $0x0  }
0x4b: {  	[sflag:s24] =	ssyncadd.s32 $0xFFFFC000  }
0x4c: {  	_ =	sfence.sel $0x180000  }
0x4d: {  	[bflag:$0x0] =	sbarrier.arrive $0xFFFF  }
0x4e: {  	_ =	strace $0x90000047  }
0x4f: {  	[bflag:$0x2] =	sbarrier.arrive $0xFFFF  }
0x50: {  	p0 =	sne.s32 s1, $0x0;
	s0 =	rddreg [dreg:$0x3]  }
0x51: {  	s0 =	sadd.s32 @!p0 $0x100000, s0  }
0x52: {  	[sflag:s0] =	ssyncadd.tile.s32 @!p0 $0x1;
	_ =	shalt  }
.Lfunc_end2:
_tile_overlayer_lowered:
.L_overlay_start_2:
0x53: {  	(tag) =	ssettag $0x2  }
0x54: {  	s0 =	rddreg [dreg:$0x0];
	s2 =	stileid.u32  }
0x55: {  	s1 =	rddreg [dreg:$0x1];
	p0 =	sne.s32 s2, $0x0  }
0x56: {  	s3 =	rddreg [dreg:$0x2];
	[bflag:$0x3] =	sbarrier.arrive $0xFFFF;
	s2 =	simm.s32 @!p0 $0x1C03  }
0x57: {  	[timem:s3], [sflag:s2] =	dma.local @!p0 [hbm:s0], s1  }
0x58: {  	s0 =	simm.s32 @!p0 $0x3  }
0x59: {  	_ =	swait.ge @!p0 [sflag:s0], s1  }
0x5a: {  	s1 =	ssub.s32 @!p0 $0x0, s1;
	[sflag:s0] =	ssyncset.done @!p0 $0x0  }
0x5b: {  	[sflag:s0] =	ssyncadd.s32 @!p0 s1  }
0x5c: {  	[bflag:$0x3] =	sbarrier.arrive $0xFFFF  }
0x5d: {  	_ =	shalt  }

</sc_bundles>
